<compile_context>
chip_gen: v7x
topology: tpu7x:2x2x1
jax: 0.10.2.dev20260603
libtpu: 0.0.44.dev20260713+nightly
codegen_flags: <defaults>
</compile_context>

<pallas_src>
import jax
import jax.numpy as jnp
from jax import lax
from jax.experimental import pallas as pl
from jax.experimental.pallas import tpu as pltpu
from jax.experimental.pallas import tpu_sc as plsc

D = 256
K = 8192
N = 65536
TN = 1024
CC = 2048
EB = 1024
EPS = 1e-12
COMMIT = 0.25

NC = 2
NS = 16
NW = NC * NS
CK = 128
ROWS_PER_W = N // NW
CH_PER_W = ROWS_PER_W // CK


def _norm_body(e_ref, en_ref, enb_ref, c_ref):
    e = e_ref[...]
    nrm = jnp.sqrt(jnp.sum(e * e, axis=1, keepdims=True))
    en = e / jnp.maximum(nrm, EPS)
    en_ref[...] = en
    enb_ref[...] = en.astype(jnp.bfloat16)
    c_ref[...] = jnp.broadcast_to(jnp.sum(en * en, axis=1, keepdims=True),
                                  c_ref.shape)


def _vq_body(x_ref, enb_ref, c_ref, idx_ref, loss_ref,
             xn_scr, sx_scr, m_scr, ix_scr, acc_ref):
    ti = pl.program_id(0)
    cj = pl.program_id(1)
    nt = pl.num_programs(0)
    ncc = pl.num_programs(1)

    @pl.when(cj == 0)
    def _tile_init():
        x = x_ref[...]
        nrm = jnp.sqrt(jnp.sum(x * x, axis=1, keepdims=True))
        xn = x / jnp.maximum(nrm, EPS)
        xn_scr[...] = xn.astype(jnp.bfloat16)
        sx_scr[...] = jnp.sum(xn * xn, axis=1, keepdims=True)
        m_scr[...] = jnp.full(m_scr.shape, jnp.inf, jnp.float32)
        ix_scr[...] = jnp.zeros(ix_scr.shape, jnp.int32)

    @pl.when(jnp.logical_and(ti == 0, cj == 0))
    def _init():
        acc_ref[0, 0] = 0.0

    dot = lax.dot_general(
        xn_scr[...], enb_ref[...],
        (((1,), (1,)), ((), ())), preferred_element_type=jnp.float32)
    scores = (sx_scr[...] + c_ref[...]) - 2.0 * dot
    lm = jnp.min(scores, axis=1, keepdims=True)
    iot = lax.broadcasted_iota(jnp.int32, scores.shape, 1)
    li = jnp.min(jnp.where(scores == lm, iot, CC), axis=1,
                 keepdims=True) + cj * CC
    upd = lm < m_scr[...]
    ix_scr[...] = jnp.where(upd, li, ix_scr[...])
    m_scr[...] = jnp.where(upd, lm, m_scr[...])

    @pl.when(cj == ncc - 1)
    def _tile_fin():
        idx_ref[0, 0, :] = ix_scr[...].reshape(TN)
        acc_ref[0, 0] += jnp.sum(m_scr[...])

    @pl.when(jnp.logical_and(ti == nt - 1, cj == ncc - 1))
    def _fin():
        loss_ref[0, 0] = acc_ref[0, 0] * (1.0 + COMMIT) / (N * D)


def _gather_body(en_hbm, idx_hbm, out_hbm, idx_v, rows_v, sem):
    wid = lax.axis_index("s") * NC + lax.axis_index("c")
    pltpu.sync_copy(idx_hbm.at[pl.ds(wid * CH_PER_W, CH_PER_W)], idx_v)

    def body(j, carry):
        pltpu.async_copy(en_hbm.at[idx_v.at[j]], rows_v, sem).wait()
        pltpu.sync_copy(rows_v, out_hbm.at[pl.ds(wid * ROWS_PER_W + j * CK, CK)])
        return carry

    lax.fori_loop(0, CH_PER_W, body, 0)


def _gather_call(emb_n, idx2d):
    mesh = plsc.VectorSubcoreMesh(core_axis_name="c", subcore_axis_name="s")
    f = pl.kernel(
        _gather_body,
        out_type=jax.ShapeDtypeStruct((N, D), jnp.float32),
        mesh=mesh,
        scratch_types=[
            pltpu.VMEM((CH_PER_W, CK), jnp.int32),
            pltpu.VMEM((CK, D), jnp.float32),
            pltpu.SemaphoreType.DMA,
        ],
    )
    return f(emb_n, idx2d)


def kernel(x, embeddings):
    emb_n, emb_nb, c8 = pl.pallas_call(
        _norm_body,
        grid=(K // EB,),
        in_specs=[pl.BlockSpec((EB, D), lambda i: (i, 0))],
        out_specs=[
            pl.BlockSpec((EB, D), lambda i: (i, 0)),
            pl.BlockSpec((EB, D), lambda i: (i, 0)),
            pl.BlockSpec((EB, 128), lambda i: (i, 0)),
        ],
        out_shape=[
            jax.ShapeDtypeStruct((K, D), jnp.float32),
            jax.ShapeDtypeStruct((K, D), jnp.bfloat16),
            jax.ShapeDtypeStruct((K, 128), jnp.float32),
        ],
    )(embeddings)
    c_row = c8[:, :1].reshape(1, K)

    nt = N // TN
    idx3, loss = pl.pallas_call(
        _vq_body,
        grid=(nt, K // CC),
        in_specs=[
            pl.BlockSpec((TN, D), lambda i, j: (i, 0)),
            pl.BlockSpec((CC, D), lambda i, j: (j, 0)),
            pl.BlockSpec((1, CC), lambda i, j: (0, j)),
        ],
        out_specs=[
            pl.BlockSpec((1, 1, TN), lambda i, j: (i, 0, 0)),
            pl.BlockSpec((1, 1), lambda i, j: (0, 0), memory_space=pltpu.SMEM),
        ],
        out_shape=[
            jax.ShapeDtypeStruct((nt, 1, TN), jnp.int32),
            jax.ShapeDtypeStruct((1, 1), jnp.float32),
        ],
        scratch_shapes=[
            pltpu.VMEM((TN, D), jnp.bfloat16),
            pltpu.VMEM((TN, 1), jnp.float32),
            pltpu.VMEM((TN, 1), jnp.float32),
            pltpu.VMEM((TN, 1), jnp.int32),
            pltpu.SMEM((1, 1), jnp.float32),
        ],
    )(x, emb_nb, c_row)

    quantized = _gather_call(emb_n, idx3.reshape(N // CK, CK))
    return quantized, loss[0, 0], idx3.reshape(N)

# --- scband reference (transcript-rebuilt; emitter-appended) ---
"""Pipeline reference for scband-code-book-34342558499367 (READ-ONLY COPY).

The authoritative reference and input builder live on the scoring server;
editing this copy changes nothing except your own understanding.
"""

import jax, jax.numpy as jnp
import numpy as np

EMBEDDING_DIM = 256
NUM_EMBEDDINGS = 8192
COMMITMENT_COST = 0.25
N_TOKENS = 65536


def _l2_normalize(v, axis=-1, eps=1e-12):
    norm = jnp.sqrt(jnp.sum(v * v, axis=axis, keepdims=True))
    return v / jnp.maximum(norm, eps)


def setup_inputs(seed: int = 0) -> dict:
    key = jax.random.key(seed)
    k1, k2 = jax.random.split(key)
    x = jax.random.normal(k1, (N_TOKENS, EMBEDDING_DIM), dtype=jnp.float32)
    # nn.Embedding default init: N(0, 1)
    embeddings = jax.random.normal(k2, (NUM_EMBEDDINGS, EMBEDDING_DIM), dtype=jnp.float32)
    return {"x": x, "embeddings": embeddings}


def reference(x, embeddings):
    # VectorQuantizer.forward
    x = _l2_normalize(x, axis=-1)
    # get_code_indices: squared-L2 distances to normalized codebook rows
    emb_n = _l2_normalize(embeddings, axis=-1)
    distances = (
        jnp.sum(x ** 2, axis=-1, keepdims=True)
        + jnp.sum(emb_n ** 2, axis=1)
        - 2.0 * jnp.matmul(x, emb_n.T)
    )
    encoding_indices = jnp.argmin(distances, axis=1)
    # quantize: gather + normalize
    quantized = _l2_normalize(jnp.take(embeddings, encoding_indices, axis=0), axis=-1)
    q_latent_loss = jnp.mean((quantized - jax.lax.stop_gradient(x)) ** 2)
    e_latent_loss = jnp.mean((x - jax.lax.stop_gradient(quantized)) ** 2)
    loss = q_latent_loss + COMMITMENT_COST * e_latent_loss
    # straight-through estimator
    quantized_st = x + jax.lax.stop_gradient(quantized - x)
    return quantized_st, loss, encoding_indices

if __name__ == "__main__":
    import jax
    _d = setup_inputs()
    print(jax.jit(kernel)(*tuple(_d.values())))

</pallas_src>

<mosaic_0001>
#map = affine_map<(d0, d1) -> (0, 0)>
module attributes {stable_mosaic.version = 14 : i64} {
  func.func @_gather_body(%arg0: i32, %arg1: i32, %arg2: memref<8192x256xf32, #tpu.memory_space<hbm>>, %arg3: memref<512x128xi32, #tpu.memory_space<hbm>>, %arg4: memref<65536x256xf32, #tpu.memory_space<hbm>>, %arg5: memref<16x128xi32, #tpu.memory_space<vmem>>, %arg6: memref<128x256xf32, #tpu.memory_space<vmem>>, %arg7: memref<!tpu.dma_semaphore, #tpu.memory_space<semaphore_mem>>) attributes {dimension_semantics = [#tpu.dimension_semantics<core_parallel>, #tpu.dimension_semantics<subcore_parallel>], iteration_bounds = array<i64: 2, 16>, scalar_prefetch = 0 : i64, scratch_operands = 3 : i64, tpu.core_type = #tpu.core_type<sc_vector_subcore>, window_params = [{transform_indices = #map}, {transform_indices = #map}, {transform_indices = #map}]} {
    %mul3A = arith.constant 2 : i32
    %mul3A_0 = arith.muli %arg1, %mul3A : i32
    %add3A = arith.addi %mul3A_0, %arg0 : i32
    %mul3A_1 = arith.constant 16 : i32
    %mul3A_2 = arith.muli %add3A, %mul3A_1 : i32
    "tpu.region"() ({
      %run_scoped3A = tpu.sem_alloc : memref<!tpu.dma_semaphore, #tpu.memory_space<semaphore_mem>>
      %dma_start3A = arith.constant 0 : i32
      %dma_start3A_8 = tpu.memref_slice %arg3[%mul3A_2, %dma_start3A] : memref<512x128xi32, #tpu.memory_space<hbm>> -> memref<16x128xi32, #tpu.memory_space<hbm>>
      %dma_start3A_9 = arith.constant 0 : i32
      %dma_start3A_10 = tpu.memref_slice %arg3[%mul3A_2, %dma_start3A_9] : memref<512x128xi32, #tpu.memory_space<hbm>> -> memref<16x128xi32, #tpu.memory_space<hbm>>
      tpu.enqueue_dma source(%dma_start3A_10 : memref<16x128xi32, #tpu.memory_space<hbm>>) target(%arg5 : memref<16x128xi32, #tpu.memory_space<vmem>>) target_semaphore(%run_scoped3A : memref<!tpu.dma_semaphore, #tpu.memory_space<semaphore_mem>>)
      %dma_wait3A = arith.constant 0 : i32
      %dma_wait3A_11 = tpu.memref_slice %arg3[%mul3A_2, %dma_wait3A] : memref<512x128xi32, #tpu.memory_space<hbm>> -> memref<16x128xi32, #tpu.memory_space<hbm>>
      %dma_wait3A_12 = arith.constant 0 : i32
      %dma_wait3A_13 = tpu.memref_slice %arg3[%mul3A_2, %dma_wait3A_12] : memref<512x128xi32, #tpu.memory_space<hbm>> -> memref<16x128xi32, #tpu.memory_space<hbm>>
      tpu.wait_dma2 semaphore(%run_scoped3A : memref<!tpu.dma_semaphore, #tpu.memory_space<semaphore_mem>>) src(%dma_wait3A_13 : memref<16x128xi32, #tpu.memory_space<hbm>>) dst(%arg5 : memref<16x128xi32, #tpu.memory_space<vmem>>)
      tpu.yield
    }) : () -> ()
    %scan3A = arith.constant 0 : i32
    %scan3A_3 = arith.constant 0 : i32
    %scan3A_4 = arith.constant 16 : i32
    %scan3A_5 = arith.addi %scan3A_3, %scan3A_4 : i32
    %scan3A_6 = arith.constant 1 : i32
    scf.for %scan3A_8 = %scan3A_3 to %scan3A_5 step %scan3A_6  : i32 {
      %dma_start3A = arith.constant 0 : i32
      %dma_start3A_9 = tpu.memref_slice %arg5[%scan3A_8, %dma_start3A] : memref<16x128xi32, #tpu.memory_space<vmem>> -> memref<1x128xi32, #tpu.memory_space<vmem>>
      %dma_start3A_10 = tpu.memref_squeeze %dma_start3A_9 : memref<1x128xi32, #tpu.memory_space<vmem>> -> memref<128xi32, #tpu.memory_space<vmem>>
      %dma_start3A_11 = arith.constant 0 : i32
      %dma_start3A_12 = arith.constant 0 : i32
      %dma_start3A_13 = tpu.memref_slice %arg2[%dma_start3A_11, %dma_start3A_12] : memref<8192x256xf32, #tpu.memory_space<hbm>> -> memref<8192x256xf32, #tpu.memory_space<hbm>>
      tpu.enqueue_indirect_dma source(%dma_start3A_13 : memref<8192x256xf32, #tpu.memory_space<hbm>>) target(%arg6 : memref<128x256xf32, #tpu.memory_space<vmem>>) offsets(%dma_start3A_10 : memref<128xi32, #tpu.memory_space<vmem>>) semaphore(%arg7 : memref<!tpu.dma_semaphore, #tpu.memory_space<semaphore_mem>>)
      %dma_wait3A = arith.constant 0 : i32
      %dma_wait3A_14 = tpu.memref_slice %arg5[%scan3A_8, %dma_wait3A] : memref<16x128xi32, #tpu.memory_space<vmem>> -> memref<1x128xi32, #tpu.memory_space<vmem>>
      %dma_wait3A_15 = tpu.memref_squeeze %dma_wait3A_14 : memref<1x128xi32, #tpu.memory_space<vmem>> -> memref<128xi32, #tpu.memory_space<vmem>>
      %dma_wait3A_16 = arith.constant 0 : i32
      %dma_wait3A_17 = arith.constant 0 : i32
      %dma_wait3A_18 = tpu.memref_slice %arg2[%dma_wait3A_16, %dma_wait3A_17] : memref<8192x256xf32, #tpu.memory_space<hbm>> -> memref<8192x256xf32, #tpu.memory_space<hbm>>
      tpu.wait_indirect_dma semaphore(%arg7 : memref<!tpu.dma_semaphore, #tpu.memory_space<semaphore_mem>>) src(%dma_wait3A_18 : memref<8192x256xf32, #tpu.memory_space<hbm>>) dst(%arg6 : memref<128x256xf32, #tpu.memory_space<vmem>>)
      %mul3A_19 = arith.constant 2048 : i32
      %mul3A_20 = arith.muli %add3A, %mul3A_19 : i32
      %mul3A_21 = arith.constant 128 : i32
      %mul3A_22 = arith.muli %scan3A_8, %mul3A_21 : i32
      %add3A_23 = arith.addi %mul3A_20, %mul3A_22 : i32
      "tpu.region"() ({
        %run_scoped3A = tpu.sem_alloc : memref<!tpu.dma_semaphore, #tpu.memory_space<semaphore_mem>>
        %dma_start3A_24 = arith.constant 0 : i32
        %dma_start3A_25 = tpu.memref_slice %arg4[%add3A_23, %dma_start3A_24] : memref<65536x256xf32, #tpu.memory_space<hbm>> -> memref<128x256xf32, #tpu.memory_space<hbm>>
        %dma_start3A_26 = arith.constant 0 : i32
        %dma_start3A_27 = tpu.memref_slice %arg4[%add3A_23, %dma_start3A_26] : memref<65536x256xf32, #tpu.memory_space<hbm>> -> memref<128x256xf32, #tpu.memory_space<hbm>>
        tpu.enqueue_dma source(%arg6 : memref<128x256xf32, #tpu.memory_space<vmem>>) target(%dma_start3A_27 : memref<128x256xf32, #tpu.memory_space<hbm>>) target_semaphore(%run_scoped3A : memref<!tpu.dma_semaphore, #tpu.memory_space<semaphore_mem>>)
        %dma_wait3A_28 = arith.constant 0 : i32
        %dma_wait3A_29 = tpu.memref_slice %arg4[%add3A_23, %dma_wait3A_28] : memref<65536x256xf32, #tpu.memory_space<hbm>> -> memref<128x256xf32, #tpu.memory_space<hbm>>
        %dma_wait3A_30 = arith.constant 0 : i32
        %dma_wait3A_31 = tpu.memref_slice %arg4[%add3A_23, %dma_wait3A_30] : memref<65536x256xf32, #tpu.memory_space<hbm>> -> memref<128x256xf32, #tpu.memory_space<hbm>>
        tpu.wait_dma2 semaphore(%run_scoped3A : memref<!tpu.dma_semaphore, #tpu.memory_space<semaphore_mem>>) src(%arg6 : memref<128x256xf32, #tpu.memory_space<vmem>>) dst(%dma_wait3A_31 : memref<128x256xf32, #tpu.memory_space<hbm>>)
        tpu.yield
      }) : () -> ()
    }
    %scan3A_7 = arith.constant 16 : i32
    return
  }
}

module attributes {stable_mosaic.version = 14 : i64} {
  func.func @_norm_body(%arg0: i32, %arg1: memref<1024x256xf32, #tpu.memory_space<vmem>>, %arg2: memref<1024x256xf32, #tpu.memory_space<vmem>>, %arg3: memref<1024x256xbf16, #tpu.memory_space<vmem>>, %arg4: memref<1024x128xf32, #tpu.memory_space<vmem>>) attributes {dimension_semantics = [#tpu.dimension_semantics<arbitrary>], iteration_bounds = array<i64: 8>, scalar_prefetch = 0 : i64, scratch_operands = 0 : i64, tpu.core_type = #tpu.core_type<tc>, window_params = [{transform_indices = @transform_0, window_bounds = array<i64: 1024, 256>}, {transform_indices = @transform_1, window_bounds = array<i64: 1024, 256>}, {transform_indices = @transform_2, window_bounds = array<i64: 1024, 256>}, {transform_indices = @transform_3, window_bounds = array<i64: 1024, 128>}]} {
    %get3A = arith.constant 0 : index
    %get3A_0 = arith.constant 0 : index
    %get3A_1 = vector.load %arg1[%get3A, %get3A_0] : memref<1024x256xf32, #tpu.memory_space<vmem>>, vector<1024x256xf32>
    %mul3A = arith.mulf %get3A_1, %get3A_1 : vector<1024x256xf32>
    %reduce_sum3A = arith.constant dense<0.000000e+00> : vector<1024xf32>
    %reduce_sum3A_2 = vector.multi_reduction <add>, %mul3A, %reduce_sum3A [1] : vector<1024x256xf32> to vector<1024xf32>
    %broadcast_in_dim3A = vector.shape_cast %reduce_sum3A_2 : vector<1024xf32> to vector<1024x1xf32>
    %sqrt3A = math.sqrt %broadcast_in_dim3A : vector<1024x1xf32>
    %max3A = arith.constant 9.99999996E-13 : f32
    %max3A_3 = vector.broadcast %max3A : f32 to vector<1024x1xf32>
    %max3A_4 = arith.maximumf %sqrt3A, %max3A_3 : vector<1024x1xf32>
    %div3A = vector.broadcast %max3A_4 : vector<1024x1xf32> to vector<1024x256xf32>
    %div3A_5 = arith.divf %get3A_1, %div3A : vector<1024x256xf32>
    %swap3A = arith.constant 0 : index
    %swap3A_6 = arith.constant 0 : index
    %swap3A_7 = vector.load %arg2[%swap3A, %swap3A_6] : memref<1024x256xf32, #tpu.memory_space<vmem>>, vector<1024x256xf32>
    tpu.vector_store %arg2[%swap3A, %swap3A_6], %div3A_5 {strides = array<i32>} : memref<1024x256xf32, #tpu.memory_space<vmem>>, vector<1024x256xf32>,
    %convert_element_type3A = arith.truncf %div3A_5 : vector<1024x256xf32> to vector<1024x256xbf16>
    %swap3A_8 = arith.constant 0 : index
    %swap3A_9 = arith.constant 0 : index
    %swap3A_10 = vector.load %arg3[%swap3A_8, %swap3A_9] : memref<1024x256xbf16, #tpu.memory_space<vmem>>, vector<1024x256xbf16>
    tpu.vector_store %arg3[%swap3A_8, %swap3A_9], %convert_element_type3A {strides = array<i32>} : memref<1024x256xbf16, #tpu.memory_space<vmem>>, vector<1024x256xbf16>,
    %mul3A_11 = arith.mulf %div3A_5, %div3A_5 : vector<1024x256xf32>
    %reduce_sum3A_12 = arith.constant dense<0.000000e+00> : vector<1024xf32>
    %reduce_sum3A_13 = vector.multi_reduction <add>, %mul3A_11, %reduce_sum3A_12 [1] : vector<1024x256xf32> to vector<1024xf32>
    %broadcast_in_dim3A_14 = vector.shape_cast %reduce_sum3A_13 : vector<1024xf32> to vector<1024x1xf32>
    %broadcast_in_dim3A_15 = vector.shape_cast %broadcast_in_dim3A_14 : vector<1024x1xf32> to vector<1024x1xf32>
    %broadcast_in_dim3A_16 = vector.broadcast %broadcast_in_dim3A_15 : vector<1024x1xf32> to vector<1024x128xf32>
    %swap3A_17 = arith.constant 0 : index
    %swap3A_18 = arith.constant 0 : index
    %swap3A_19 = vector.load %arg4[%swap3A_17, %swap3A_18] : memref<1024x128xf32, #tpu.memory_space<vmem>>, vector<1024x128xf32>
    tpu.vector_store %arg4[%swap3A_17, %swap3A_18], %broadcast_in_dim3A_16 {strides = array<i32>} : memref<1024x128xf32, #tpu.memory_space<vmem>>, vector<1024x128xf32>,
    return
  }
  func.func @transform_0(%arg0: i32) -> (i32, i32) {
    %c0_i32 = arith.constant 0 : i32
    %c0_i32_0 = arith.constant 0 : i32
    return %arg0, %c0_i32 : i32, i32
  }
  func.func @transform_1(%arg0: i32) -> (i32, i32) {
    %c0_i32 = arith.constant 0 : i32
    %c0_i32_0 = arith.constant 0 : i32
    return %arg0, %c0_i32 : i32, i32
  }
  func.func @transform_2(%arg0: i32) -> (i32, i32) {
    %c0_i32 = arith.constant 0 : i32
    %c0_i32_0 = arith.constant 0 : i32
    return %arg0, %c0_i32 : i32, i32
  }
  func.func @transform_3(%arg0: i32) -> (i32, i32) {
    %c0_i32 = arith.constant 0 : i32
    %c0_i32_0 = arith.constant 0 : i32
    return %arg0, %c0_i32 : i32, i32
  }
}

module attributes {stable_mosaic.version = 14 : i64} {
  func.func @_vq_body(%arg0: i32, %arg1: i32, %arg2: memref<1024x256xf32, #tpu.memory_space<vmem>>, %arg3: memref<2048x256xbf16, #tpu.memory_space<vmem>>, %arg4: memref<1x2048xf32, #tpu.memory_space<vmem>>, %arg5: memref<1x1x1024xi32, #tpu.memory_space<vmem>>, %arg6: memref<1x1xf32, #tpu.memory_space<smem>>, %arg7: memref<1024x256xbf16, #tpu.memory_space<vmem>>, %arg8: memref<1024x1xf32, #tpu.memory_space<vmem>>, %arg9: memref<1024x1xf32, #tpu.memory_space<vmem>>, %arg10: memref<1024x1xi32, #tpu.memory_space<vmem>>, %arg11: memref<1x1xf32, #tpu.memory_space<smem>>) attributes {dimension_semantics = [#tpu.dimension_semantics<arbitrary>, #tpu.dimension_semantics<arbitrary>], iteration_bounds = array<i64: 64, 4>, scalar_prefetch = 0 : i64, scratch_operands = 5 : i64, tpu.core_type = #tpu.core_type<tc>, window_params = [{transform_indices = @transform_0, window_bounds = array<i64: 1024, 256>}, {transform_indices = @transform_1, window_bounds = array<i64: 2048, 256>}, {transform_indices = @transform_2, window_bounds = array<i64: 1, 2048>}, {transform_indices = @transform_3, window_bounds = array<i64: 1, 1, 1024>}, {transform_indices = @transform_4, window_bounds = array<i64: 1, 1>}]} {
    %eq3A = arith.constant 0 : i32
    %eq3A_0 = arith.cmpi eq, %arg1, %eq3A : i32
    %convert_element_type3A = arith.extui %eq3A_0 : i1 to i32
    %cond3A = arith.constant 0 : i32
    %cond3A_1 = arith.cmpi ne, %convert_element_type3A, %cond3A : i32
    scf.if %cond3A_1 {
      %get3A_65 = arith.constant 0 : index
      %get3A_66 = arith.constant 0 : index
      %get3A_67 = vector.load %arg2[%get3A_65, %get3A_66] : memref<1024x256xf32, #tpu.memory_space<vmem>>, vector<1024x256xf32>
      %mul3A_68 = arith.mulf %get3A_67, %get3A_67 : vector<1024x256xf32>
      %reduce_sum3A = arith.constant dense<0.000000e+00> : vector<1024xf32>
      %reduce_sum3A_69 = vector.multi_reduction <add>, %mul3A_68, %reduce_sum3A [1] : vector<1024x256xf32> to vector<1024xf32>
      %broadcast_in_dim3A_70 = vector.shape_cast %reduce_sum3A_69 : vector<1024xf32> to vector<1024x1xf32>
      %sqrt3A = math.sqrt %broadcast_in_dim3A_70 : vector<1024x1xf32>
      %max3A = arith.constant 9.99999996E-13 : f32
      %max3A_71 = vector.broadcast %max3A : f32 to vector<1024x1xf32>
      %max3A_72 = arith.maximumf %sqrt3A, %max3A_71 : vector<1024x1xf32>
      %div3A = vector.broadcast %max3A_72 : vector<1024x1xf32> to vector<1024x256xf32>
      %div3A_73 = arith.divf %get3A_67, %div3A : vector<1024x256xf32>
      %convert_element_type3A_74 = arith.truncf %div3A_73 : vector<1024x256xf32> to vector<1024x256xbf16>
      %swap3A_75 = arith.constant 0 : index
      %swap3A_76 = arith.constant 0 : index
      %swap3A_77 = vector.load %arg7[%swap3A_75, %swap3A_76] : memref<1024x256xbf16, #tpu.memory_space<vmem>>, vector<1024x256xbf16>
      tpu.vector_store %arg7[%swap3A_75, %swap3A_76], %convert_element_type3A_74 {strides = array<i32>} : memref<1024x256xbf16, #tpu.memory_space<vmem>>, vector<1024x256xbf16>,
      %mul3A_78 = arith.mulf %div3A_73, %div3A_73 : vector<1024x256xf32>
      %reduce_sum3A_79 = arith.constant dense<0.000000e+00> : vector<1024xf32>
      %reduce_sum3A_80 = vector.multi_reduction <add>, %mul3A_78, %reduce_sum3A_79 [1] : vector<1024x256xf32> to vector<1024xf32>
      %broadcast_in_dim3A_81 = vector.shape_cast %reduce_sum3A_80 : vector<1024xf32> to vector<1024x1xf32>
      %swap3A_82 = arith.constant 0 : index
      %swap3A_83 = arith.constant 0 : index
      %swap3A_84 = vector.load %arg8[%swap3A_82, %swap3A_83] : memref<1024x1xf32, #tpu.memory_space<vmem>>, vector<1024x1xf32>
      tpu.vector_store %arg8[%swap3A_82, %swap3A_83], %broadcast_in_dim3A_81 {strides = array<i32>} : memref<1024x1xf32, #tpu.memory_space<vmem>>, vector<1024x1xf32>,
      %broadcast_in_dim3A_85 = arith.constant 0x7F800000 : f32
      %broadcast_in_dim3A_86 = vector.broadcast %broadcast_in_dim3A_85 : f32 to vector<1024x1xf32>
      %swap3A_87 = arith.constant 0 : index
      %swap3A_88 = arith.constant 0 : index
      %swap3A_89 = vector.load %arg9[%swap3A_87, %swap3A_88] : memref<1024x1xf32, #tpu.memory_space<vmem>>, vector<1024x1xf32>
      tpu.vector_store %arg9[%swap3A_87, %swap3A_88], %broadcast_in_dim3A_86 {strides = array<i32>} : memref<1024x1xf32, #tpu.memory_space<vmem>>, vector<1024x1xf32>,
      %broadcast_in_dim3A_90 = arith.constant 0 : i32
      %broadcast_in_dim3A_91 = vector.broadcast %broadcast_in_dim3A_90 : i32 to vector<1024x1xi32>
      %swap3A_92 = arith.constant 0 : index
      %swap3A_93 = arith.constant 0 : index
      %swap3A_94 = vector.load %arg10[%swap3A_92, %swap3A_93] : memref<1024x1xi32, #tpu.memory_space<vmem>>, vector<1024x1xi32>
      tpu.vector_store %arg10[%swap3A_92, %swap3A_93], %broadcast_in_dim3A_91 {strides = array<i32>} : memref<1024x1xi32, #tpu.memory_space<vmem>>, vector<1024x1xi32>,
    } else {
    }
    %eq3A_2 = arith.constant 0 : i32
    %eq3A_3 = arith.cmpi eq, %arg0, %eq3A_2 : i32
    %eq3A_4 = arith.constant 0 : i32
    %eq3A_5 = arith.cmpi eq, %arg1, %eq3A_4 : i32
    %and3A = arith.andi %eq3A_3, %eq3A_5 : i1
    %convert_element_type3A_6 = arith.extui %and3A : i1 to i32
    %cond3A_7 = arith.constant 0 : i32
    %cond3A_8 = arith.cmpi ne, %convert_element_type3A_6, %cond3A_7 : i32
    scf.if %cond3A_8 {
      %swap3A_65 = arith.constant 0.000000e+00 : f32
      %swap3A_66 = arith.constant 0 : index
      %swap3A_67 = arith.constant 0 : index
      %swap3A_68 = memref.load %arg11[%swap3A_66, %swap3A_67] : memref<1x1xf32, #tpu.memory_space<smem>>
      memref.store %swap3A_65, %arg11[%swap3A_66, %swap3A_67] : memref<1x1xf32, #tpu.memory_space<smem>>
    } else {
    }
    %get3A = arith.constant 0 : index
    %get3A_9 = arith.constant 0 : index
    %get3A_10 = vector.load %arg7[%get3A, %get3A_9] : memref<1024x256xbf16, #tpu.memory_space<vmem>>, vector<1024x256xbf16>
    %get3A_11 = arith.constant 0 : index
    %get3A_12 = arith.constant 0 : index
    %get3A_13 = vector.load %arg3[%get3A_11, %get3A_12] : memref<2048x256xbf16, #tpu.memory_space<vmem>>, vector<2048x256xbf16>
    %dot_general3A = arith.constant dense<0.000000e+00> : vector<1024x2048xf32>
    %dot_general3A_14 = tpu.matmul %get3A_10, %get3A_13, %dot_general3A {dimension_numbers = #tpu.dot_dimension_numbers<[1], [1], [0], [0], [0, 0, 1, 0], [], []>, transpose_lhs_hint = false} : vector<1024x256xbf16>, vector<2048x256xbf16>, vector<1024x2048xf32> -> vector<1024x2048xf32>
    %get3A_15 = arith.constant 0 : index
    %get3A_16 = arith.constant 0 : index
    %get3A_17 = vector.load %arg8[%get3A_15, %get3A_16] : memref<1024x1xf32, #tpu.memory_space<vmem>>, vector<1024x1xf32>
    %get3A_18 = arith.constant 0 : index
    %get3A_19 = arith.constant 0 : index
    %get3A_20 = vector.load %arg4[%get3A_18, %get3A_19] : memref<1x2048xf32, #tpu.memory_space<vmem>>, vector<1x2048xf32>
    %add3A = vector.broadcast %get3A_17 : vector<1024x1xf32> to vector<1024x2048xf32>
    %add3A_21 = vector.broadcast %get3A_20 : vector<1x2048xf32> to vector<1024x2048xf32>
    %add3A_22 = arith.addf %add3A, %add3A_21 : vector<1024x2048xf32>
    %mul3A = arith.constant 2.000000e+00 : f32
    %mul3A_23 = vector.broadcast %mul3A : f32 to vector<1024x2048xf32>
    %mul3A_24 = arith.mulf %mul3A_23, %dot_general3A_14 : vector<1024x2048xf32>
    %sub3A = arith.subf %add3A_22, %mul3A_24 : vector<1024x2048xf32>
    %reduce_min3A = arith.constant dense<0x7F800000> : vector<1024xf32>
    %reduce_min3A_25 = vector.multi_reduction <minimumf>, %sub3A, %reduce_min3A [1] : vector<1024x2048xf32> to vector<1024xf32>
    %broadcast_in_dim3A = vector.shape_cast %reduce_min3A_25 : vector<1024xf32> to vector<1024x1xf32>
    %iota3A = tpu.iota {dimensions = array<i32: 1>} : vector<1024x2048xi32>
    %eq3A_26 = vector.broadcast %broadcast_in_dim3A : vector<1024x1xf32> to vector<1024x2048xf32>
    %eq3A_27 = arith.cmpf oeq, %sub3A, %eq3A_26 : vector<1024x2048xf32>
    %jit3A = arith.constant 2048 : i32
    %broadcast_in_dim3A_28 = vector.broadcast %jit3A : i32 to vector<1024x2048xi32>
    %select_n3A = arith.select %eq3A_27, %iota3A, %broadcast_in_dim3A_28 : vector<1024x2048xi1>, vector<1024x2048xi32>
    %reduce_min3A_29 = arith.constant dense<2147483647> : vector<1024xi32>
    %reduce_min3A_30 = vector.multi_reduction <minsi>, %select_n3A, %reduce_min3A_29 [1] : vector<1024x2048xi32> to vector<1024xi32>
    %broadcast_in_dim3A_31 = vector.shape_cast %reduce_min3A_30 : vector<1024xi32> to vector<1024x1xi32>
    %mul3A_32 = arith.constant 2048 : i32
    %mul3A_33 = arith.muli %arg1, %mul3A_32 : i32
    %add3A_34 = vector.broadcast %mul3A_33 : i32 to vector<1024x1xi32>
    %add3A_35 = arith.addi %broadcast_in_dim3A_31, %add3A_34 : vector<1024x1xi32>
    %get3A_36 = arith.constant 0 : index
    %get3A_37 = arith.constant 0 : index
    %get3A_38 = vector.load %arg9[%get3A_36, %get3A_37] : memref<1024x1xf32, #tpu.memory_space<vmem>>, vector<1024x1xf32>
    %lt3A = arith.cmpf olt, %broadcast_in_dim3A, %get3A_38 : vector<1024x1xf32>
    %get3A_39 = arith.constant 0 : index
    %get3A_40 = arith.constant 0 : index
    %get3A_41 = vector.load %arg10[%get3A_39, %get3A_40] : memref<1024x1xi32, #tpu.memory_space<vmem>>, vector<1024x1xi32>
    %select_n3A_42 = arith.select %lt3A, %add3A_35, %get3A_41 : vector<1024x1xi1>, vector<1024x1xi32>
    %swap3A = arith.constant 0 : index
    %swap3A_43 = arith.constant 0 : index
    %swap3A_44 = vector.load %arg10[%swap3A, %swap3A_43] : memref<1024x1xi32, #tpu.memory_space<vmem>>, vector<1024x1xi32>
    tpu.vector_store %arg10[%swap3A, %swap3A_43], %select_n3A_42 {strides = array<i32>} : memref<1024x1xi32, #tpu.memory_space<vmem>>, vector<1024x1xi32>,
    %get3A_45 = arith.constant 0 : index
    %get3A_46 = arith.constant 0 : index
    %get3A_47 = vector.load %arg9[%get3A_45, %get3A_46] : memref<1024x1xf32, #tpu.memory_space<vmem>>, vector<1024x1xf32>
    %select_n3A_48 = arith.select %lt3A, %broadcast_in_dim3A, %get3A_47 : vector<1024x1xi1>, vector<1024x1xf32>
    %swap3A_49 = arith.constant 0 : index
    %swap3A_50 = arith.constant 0 : index
    %swap3A_51 = vector.load %arg9[%swap3A_49, %swap3A_50] : memref<1024x1xf32, #tpu.memory_space<vmem>>, vector<1024x1xf32>
    tpu.vector_store %arg9[%swap3A_49, %swap3A_50], %select_n3A_48 {strides = array<i32>} : memref<1024x1xf32, #tpu.memory_space<vmem>>, vector<1024x1xf32>,
    %eq3A_52 = arith.constant 3 : i32
    %eq3A_53 = arith.cmpi eq, %arg1, %eq3A_52 : i32
    %convert_element_type3A_54 = arith.extui %eq3A_53 : i1 to i32
    %cond3A_55 = arith.constant 0 : i32
    %cond3A_56 = arith.cmpi ne, %convert_element_type3A_54, %cond3A_55 : i32
    scf.if %cond3A_56 {
      %get3A_65 = arith.constant 0 : index
      %get3A_66 = arith.constant 0 : index
      %get3A_67 = vector.load %arg10[%get3A_65, %get3A_66] : memref<1024x1xi32, #tpu.memory_space<vmem>>, vector<1024x1xi32>
      %reshape3A = vector.shape_cast %get3A_67 : vector<1024x1xi32> to vector<1024xi32>
      %swap3A_68 = arith.constant 0 : index
      %swap3A_69 = arith.constant 0 : index
      %swap3A_70 = arith.constant 0 : index
      %swap3A_71 = vector.load %arg5[%swap3A_68, %swap3A_69, %swap3A_70] : memref<1x1x1024xi32, #tpu.memory_space<vmem>>, vector<1x1x1024xi32>
      %swap3A_72 = vector.shape_cast %swap3A_71 : vector<1x1x1024xi32> to vector<1024xi32>
      %swap3A_73 = vector.shape_cast %reshape3A : vector<1024xi32> to vector<1x1x1024xi32>
      tpu.vector_store %arg5[%swap3A_68, %swap3A_69, %swap3A_70], %swap3A_73 {strides = array<i32>} : memref<1x1x1024xi32, #tpu.memory_space<vmem>>, vector<1x1x1024xi32>,
      %get3A_74 = arith.constant 0 : index
      %get3A_75 = arith.constant 0 : index
      %get3A_76 = memref.load %arg11[%get3A_74, %get3A_75] : memref<1x1xf32, #tpu.memory_space<smem>>
      %get3A_77 = arith.constant 0 : index
      %get3A_78 = arith.constant 0 : index
      %get3A_79 = vector.load %arg9[%get3A_77, %get3A_78] : memref<1024x1xf32, #tpu.memory_space<vmem>>, vector<1024x1xf32>
      %reduce_sum3A = vector.shape_cast %get3A_79 : vector<1024x1xf32> to vector<1x1024x1xf32>
      %reduce_sum3A_80 = arith.constant dense<0.000000e+00> : vector<1xf32>
      %reduce_sum3A_81 = vector.multi_reduction <add>, %reduce_sum3A, %reduce_sum3A_80 [1, 2] : vector<1x1024x1xf32> to vector<1xf32>
      %reduce_sum3A_82 = vector.shape_cast %reduce_sum3A_81 : vector<1xf32> to vector<1x1x1xf32>
      %reduce_sum3A_83 = vector.extract %reduce_sum3A_82[0, 0, 0] : f32 from vector<1x1x1xf32>
      %add3A_84 = arith.addf %get3A_76, %reduce_sum3A_83 : f32
      %swap3A_85 = arith.constant 0 : index
      %swap3A_86 = arith.constant 0 : index
      %swap3A_87 = memref.load %arg11[%swap3A_85, %swap3A_86] : memref<1x1xf32, #tpu.memory_space<smem>>
      memref.store %add3A_84, %arg11[%swap3A_85, %swap3A_86] : memref<1x1xf32, #tpu.memory_space<smem>>
    } else {
    }
    %eq3A_57 = arith.constant 63 : i32
    %eq3A_58 = arith.cmpi eq, %arg0, %eq3A_57 : i32
    %eq3A_59 = arith.constant 3 : i32
    %eq3A_60 = arith.cmpi eq, %arg1, %eq3A_59 : i32
    %and3A_61 = arith.andi %eq3A_58, %eq3A_60 : i1
    %convert_element_type3A_62 = arith.extui %and3A_61 : i1 to i32
    %cond3A_63 = arith.constant 0 : i32
    %cond3A_64 = arith.cmpi ne, %convert_element_type3A_62, %cond3A_63 : i32
    scf.if %cond3A_64 {
      %get3A_65 = arith.constant 0 : index
      %get3A_66 = arith.constant 0 : index
      %get3A_67 = memref.load %arg11[%get3A_65, %get3A_66] : memref<1x1xf32, #tpu.memory_space<smem>>
      %mul3A_68 = arith.constant 1.250000e+00 : f32
      %mul3A_69 = arith.mulf %get3A_67, %mul3A_68 : f32
      %div3A = arith.constant 0x4B800000 : f32
      %div3A_70 = arith.divf %mul3A_69, %div3A : f32
      %swap3A_71 = arith.constant 0 : index
      %swap3A_72 = arith.constant 0 : index
      %swap3A_73 = memref.load %arg6[%swap3A_71, %swap3A_72] : memref<1x1xf32, #tpu.memory_space<smem>>
      memref.store %div3A_70, %arg6[%swap3A_71, %swap3A_72] : memref<1x1xf32, #tpu.memory_space<smem>>
    } else {
    }
    return
  }
  func.func @transform_0(%arg0: i32, %arg1: i32) -> (i32, i32) {
    %c0_i32 = arith.constant 0 : i32
    %c0_i32_0 = arith.constant 0 : i32
    return %arg0, %c0_i32 : i32, i32
  }
  func.func @transform_1(%arg0: i32, %arg1: i32) -> (i32, i32) {
    %c0_i32 = arith.constant 0 : i32
    %c0_i32_0 = arith.constant 0 : i32
    return %arg1, %c0_i32 : i32, i32
  }
  func.func @transform_2(%arg0: i32, %arg1: i32) -> (i32, i32) {
    %c0_i32 = arith.constant 0 : i32
    %c0_i32_0 = arith.constant 0 : i32
    return %c0_i32, %arg1 : i32, i32
  }
  func.func @transform_3(%arg0: i32, %arg1: i32) -> (i32, i32, i32) {
    %c0_i32 = arith.constant 0 : i32
    %c0_i32_0 = arith.constant 0 : i32
    %c0_i32_1 = arith.constant 0 : i32
    return %arg0, %c0_i32, %c0_i32_0 : i32, i32, i32
  }
  func.func @transform_4(%arg0: i32, %arg1: i32) -> (i32, i32) {
    %c0_i32 = arith.constant 0 : i32
    %c0_i32_0 = arith.constant 0 : i32
    %c0_i32_1 = arith.constant 0 : i32
    return %c0_i32, %c0_i32_0 : i32, i32
  }
}

</mosaic_0001>

<sc_bundles>
// kernel: kernel.5.cloned.1.call-start
scs
__scs_entry_jumppad:
0x0: {  	(pc) =	sbr.rel $0x88, $3  }
0x1: {  	(tag) =	ssettag $0x0;
	lr =	simm.s32 $0x1  }
0x2: {  	[smem:$0x3F9F] =	sst lr;
	_ =	strace $0xD0000000  }
0x3: {  	_ = 	snop  }
0x4: {  	_ = 	snop  }
0x5: {  	_ = 	snop  }
0x6: {  	_ = 	snop  }
0x7: {  	_ = 	snop  }
__scs_overlays_trampoline_lowered:
0x8: {  	[smem:$0x3FAE] =	sst s0  }
0x9: {  	[smem:$0x3FAF] =	sst s1  }
0xa: {  	[smem:$0x3FB0] =	sst s2  }
0xb: {  	[smem:$0x3FB1] =	sst s3  }
0xc: {  	[smem:$0x3FB2] =	sst s4  }
0xd: {  	[smem:$0x3FB3] =	sst s5  }
0xe: {  	[smem:$0x3FB4] =	sst s6  }
0xf: {  	[smem:$0x3FB5] =	sst s7  }
0x10: {  	[smem:$0x3FB6] =	sst s8  }
0x11: {  	[smem:$0x3FB7] =	sst s9;
	s0 =	simm.s32 @!p0 $0x0  }
0x12: {  	s1 =	sld [smem:$0x3F9D];
	s0 =	simm.s32 @p0 $0x1  }
0x13: {  	[smem:$0x3FB8] =	sst s0;
	s0 =	simm.s32 @!p1 $0x0  }
0x14: {  	s2 =	sld [smem:$0x3F9C];
	s0 =	simm.s32 @p1 $0x1  }
0x15: {  	[smem:$0x3FB9] =	sst s0;
	s0 =	simm.s32 @!p2 $0x0  }
0x16: {  	s3 =	sld [smem:$0x3FDB];
	s0 =	simm.s32 @p2 $0x1  }
0x17: {  	s4 =	simm.s32 $0x1BF5;
	[smem:$0x3FBB] =	sst s0  }
0x18: {  	s0 =	sld [smem:$0x3F9E];
	_ =	swait.ge [sflag:s4], $0x0  }
0x19: {  	s7 =	sld [smem:$0x3F9F]  }
0x1a: {  	s8 =	sadd.s32 $0xFFFFE003, lr  }
0x1b: {  	s9 =	sadd.s32 $0xFFFFFEF7, lr;
	s5 =	simm.s32 $0xFFFFFFFF;
	p2 =	slt.u32 s8, $0xFFFFF086  }
0x1c: {  	p1 =	slt.u32 s9, $0xF7A;
	s5 =	simm.s32 @!p2 $0x0  }
0x1d: {  	s5 =	simm.s32 @p1 $0x1;
	p0 =	seq.s32 s7, s2  }
0x1e: {  	s7 =	smul.u32 @!p0 $0xF7A, s2;
	p2 =	seq.s32 @!p0 s5, $0x0  }
0x1f: {  	s9 =	smul.u32 $0xF7A, s1;
	s8 =	simm.s32 @!p0 $0x1BF5;
	p2 =	por !p2, p0  }
0x20: {  	[sflag:s8] =	ssyncset.s32 @!p0 $0xFFFFF086;
	s6 =	sadd.s32 @!p0 s3, s7;
	s7 =	simm.s32 @!p0 $0x108  }
0x21: {  	s3 =	sadd.s32 s3, s9;
	s6 =	sadd.s32 @!p0 $0x88, s6;
	s7 =	simm.s32 @p2 $0x1082  }
0x22: {  	[simem:s7], [sflag:s8] =	dma.local @!p0 [hbm:s6], $0xF7A  }
0x23: {  	s9 =	sor.u32 $0xD0000000, s2;
	s6 =	simm.s32 $0x108;
	_ =	swait.ge @!p0 [sflag:s8], $0x0  }
0x24: {  	s3 =	sadd.s32 $0x88, s3;
	s6 =	simm.s32 @!p1 $0x1082;
	[sflag:s4] =	ssyncset.s32 $0xFFFFF086  }
0x25: {  	[simem:s6], [sflag:s4] =	dma.local [hbm:s3], $0xF7A  }
0x26: {  	[smem:$0x3F9F] =	sst s1;
	(tag) =	ssettag s2;
	_ =	strace s9  }
0x27: {  	s1 =	sld [smem:$0x3FAF]  }
0x28: {  	s2 =	sld [smem:$0x3FB0]  }
0x29: {  	s4 =	sld [smem:$0x3FB2]  }
0x2a: {  	p0 =	seq.s32 s5, $0x0;
	s5 =	sld [smem:$0x3FB3]  }
0x2b: {  	s6 =	sld [smem:$0x3FB4]  }
0x2c: {  	s7 =	sld [smem:$0x3FB5]  }
0x2d: {  	s3 =	simm.s32 $0x108;
	s8 =	sld [smem:$0x3FB6]  }
0x2e: {  	s3 =	simm.s32 @!p0 $0x1082;
	s9 =	sld [smem:$0x3FB7]  }
0x2f: {  	lr =	sadd.s32 s0, s3;
	s0 =	sld [smem:$0x3FAE]  }
0x30: {  	s3 =	sld [smem:$0x3FB1]  }
0x31: {  	[smem:$0x3FBA] =	sst s10  }
0x32: {  	s10 =	sld [smem:$0x3FB8];
	_ =	sdelay $0x3  }
0x33: {  	p0 =	seq.s32 s10, $0x1;
	s10 =	sld [smem:$0x3FBA];
	_ =	sdelay $0x3  }
0x34: {  	[smem:$0x3FBA] =	sst s10  }
0x35: {  	s10 =	sld [smem:$0x3FB9];
	_ =	sdelay $0x3  }
0x36: {  	p1 =	seq.s32 s10, $0x1;
	s10 =	sld [smem:$0x3FBA];
	_ =	sdelay $0x3  }
0x37: {  	[smem:$0x3FBA] =	sst s10  }
0x38: {  	s10 =	sld [smem:$0x3FBB]  }
0x39: {  	_ = 	snop;
	(pc) =	sbr.ind lr, $3  }
0x3a: {  	_ = 	snop  }
0x3b: {  	_ = 	snop  }
0x3c: {  	p2 =	seq.s32 s10, $0x1;
	s10 =	sld [smem:$0x3FBA]  }
0x3d: {  	_ =	shalt  }
0x3e: {  	_ =	shalt  }
0x3f: {  	_ =	shalt  }
0x40: {  	_ =	shalt  }
0x41: {  	_ =	shalt  }
0x42: {  	_ =	shalt  }
0x43: {  	_ =	shalt  }
0x44: {  	_ =	shalt  }
0x45: {  	_ =	shalt  }
0x46: {  	_ =	shalt  }
0x47: {  	_ =	shalt  }
0x48: {  	_ =	shalt  }
0x49: {  	_ =	shalt  }
0x4a: {  	_ =	shalt  }
0x4b: {  	_ =	shalt  }
0x4c: {  	_ =	shalt  }
0x4d: {  	_ =	shalt  }
0x4e: {  	_ =	shalt  }
0x4f: {  	_ =	shalt  }
0x50: {  	_ =	shalt  }
0x51: {  	_ =	shalt  }
0x52: {  	_ =	shalt  }
0x53: {  	_ =	shalt  }
0x54: {  	_ =	shalt  }
0x55: {  	_ =	shalt  }
0x56: {  	_ =	shalt  }
0x57: {  	_ =	shalt  }
0x58: {  	_ =	shalt  }
0x59: {  	_ =	shalt  }
0x5a: {  	_ =	shalt  }
0x5b: {  	_ =	shalt  }
0x5c: {  	_ =	shalt  }
0x5d: {  	_ =	shalt  }
0x5e: {  	_ =	shalt  }
0x5f: {  	_ =	shalt  }
0x60: {  	_ =	shalt  }
0x61: {  	_ =	shalt  }
0x62: {  	_ =	shalt  }
0x63: {  	_ =	shalt  }
0x64: {  	_ =	shalt  }
0x65: {  	_ =	shalt  }
0x66: {  	_ =	shalt  }
0x67: {  	_ =	shalt  }
0x68: {  	_ =	shalt  }
0x69: {  	_ =	shalt  }
0x6a: {  	_ =	shalt  }
0x6b: {  	_ =	shalt  }
0x6c: {  	_ =	shalt  }
0x6d: {  	_ =	shalt  }
0x6e: {  	_ =	shalt  }
0x6f: {  	_ =	shalt  }
0x70: {  	_ =	shalt  }
0x71: {  	_ =	shalt  }
0x72: {  	_ =	shalt  }
0x73: {  	_ =	shalt  }
0x74: {  	_ =	shalt  }
0x75: {  	_ =	shalt  }
0x76: {  	_ =	shalt  }
0x77: {  	_ =	shalt  }
0x78: {  	_ =	shalt  }
0x79: {  	_ =	shalt  }
0x7a: {  	_ =	shalt  }
0x7b: {  	_ =	shalt  }
0x7c: {  	_ =	shalt  }
0x7d: {  	_ =	shalt  }
0x7e: {  	_ =	shalt  }
0x7f: {  	_ =	shalt  }
0x80: {  	_ =	shalt  }
0x81: {  	_ =	shalt  }
0x82: {  	_ =	shalt  }
0x83: {  	_ =	shalt  }
0x84: {  	_ =	shalt  }
0x85: {  	_ =	shalt  }
0x86: {  	_ =	shalt  }
0x87: {  	_ =	shalt  }
.Lfunc_end0:
.L_simem_size_0:
called_computation_lowered:
.L_overlay_start_0:
0x88: {  	s2 =	sld [smem:$0x3FD9]  }
0x89: {  	s3 =	sld [smem:$0x3FFE];
	_ =	sdelay $0x1  }
0x8a: {  	s1 =	srdreg.scid  }
0x8b: {  	s0 =	sand.u32 $0x1, s1  }
0x8c: {  	s14 =	sshll.u32 s0, $0xA;
	s2 =	sadd.s32 s3, s2  }
0x8d: {  	s2 =	sadd.s32 s2, s14  }
0x8e: {  	[smem:$0x3FC6] =	sst s2  }
0x8f: {  	_ = 	snop  }
0x90: {  	s2 =	sld [smem:$0x3FD0];
	_ =	sdelay $0x2  }
0x91: {  	s15 =	simm.s32 $0xA;
	s4 =	simm.s32 $0x10  }
0x92: {  	[smem:s4], [sflag:s15] =	dma.local [hbm:s2], $0x1  }
0x93: {  	_ =	swait.eq [sflag:s15], $0x1  }
0x94: {  	[sflag:s15] =	ssyncset.done $0x0  }
0x95: {  	s16 =	sld [smem:$0x10];
	[sflag:s15] =	ssyncadd.s32 $0xFFFFFFFF  }
0x96: {  	s17 =	sld [smem:$0x12];
	(tm) =	ssettm $0x1  }
0x97: {  	s18 =	sld [smem:$0x3FFB];
	_ =	sdelay $0x3  }
0x98: {  	_ =	strace s18  }
0x99: {  	s4 =	sld [smem:$0x3FFC];
	_ =	sdelay $0x3  }
0x9a: {  	_ =	strace s4  }
0x9b: {  	s4 =	sld [smem:$0x3FFD];
	_ =	sdelay $0x3  }
0x9c: {  	_ =	strace s4  }
0x9d: {  	_ =	strace $0x8FFFFFFF  }
0x9e: {  	s19 =	sld [smem:$0x3FDB];
	_ =	sdelay $0x1  }
0x9f: {  	s5 =	simm.s32 $_scs_section_size  }
0xa0: {  	s6 =	simm.s32 $_size__tile_overlayer_lowered;
	s7 =	simm.s32 $_tile_overlayer_lowered  }
0xa1: {  	s22 =	simm.s32 $0x1BFF;
	s21 =	sshll.u32 s7, $0x1;
	s4 =	sadd.s32 s5, s19  }
0xa2: {  	s8 =	simm.s32 $0x0;
	s20 =	sshll.u32 s6, $0x1;
	s6 =	sadd.s32 s21, s4  }
0xa3: {  	[timem:s8], [sflag:s22] =	dma.local [hbm:s6], s20  }
0xa4: {  	_ =	swait.ge [sflag:s22], s20  }
0xa5: {  	s5 =	ssub.s32 $0x0, s20;
	[sflag:s22] =	ssyncset.done $0x0  }
0xa6: {  	[sflag:s22] =	ssyncadd.s32 s5;
	_ =	sdelay $0x1  }
0xa7: {  	s23 =	simm.s32 $0x1B8B  }
0xa8: {  	_ =	swait.ge [sflag:s23], $0x1  }
0xa9: {  	[sflag:s23] =	ssyncset.done $0x0  }
0xaa: {  	s25 =	simm.s32 $0x1B8E;
	s24 =	sld [smem:$0x3FFE];
	[sflag:s23] =	ssyncadd.s32 $0xFFFFFFFF  }
0xab: {  	s26 =	simm.s32 $execute0_lowered;
	[smem:$0x3FD2] =	sst s25  }
0xac: {  	s6 =	sshll.u32 s26, $0x1;
	_ =	strace $0x80000046;
	[dreg:$0x1] =	wrdreg $0xFFFFFFFF  }
0xad: {  	s28 =	simm.s32 $_size_execute0_lowered;
	s4 =	sadd.s32 s4, s6;
	[dreg:$0x0] =	wrdreg $0x0  }
0xae: {  	s6 =	sshll.u32 s28, $0x1;
	[dreg:$0x2] =	wrdreg s4  }
0xaf: {  	[dreg:$0x3] =	wrdreg s6  }
0xb0: {  	[dreg:$0x4] =	wrdreg $0xC0  }
0xb1: {  	_ =	task [dreg:s8], $0x5FFFF  }
0xb2: {  	[dreg:$0x1] =	wrdreg $0xFFFFFFFF  }
0xb3: {  	[dreg:$0x0] =	wrdreg $0x60  }
0xb4: {  	[dreg:$0x2] =	wrdreg s24  }
0xb5: {  	[dreg:$0x3] =	wrdreg s17  }
0xb6: {  	[dreg:$0x4] =	wrdreg s16  }
0xb7: {  	[dreg:$0x5] =	wrdreg $0x9  }
0xb8: {  	_ =	task.clear_ibuf [dreg:s8], $0x6FFFF;
	_ =	strace $0x90000046  }
0xb9: {  	s29 =	simm.s32 $0x9;
	_ =	strace $0x80000048  }
0xba: {  	_ =	swait.ge [sflag:s29], $0x1  }
0xbb: {  	[sflag:s29] =	ssyncadd.s32 $0xFFFFFFFF  }
0xbc: {  	_ =	strace $0x90000048  }
0xbd: {  	_ =	sfence  }
0xbe: {  	s30 =	sld [smem:$0x0];
	_ =	sdelay $0x2  }
0xbf: {  	s31 =	sshll.u32 s1, $0xD;
	s1 =	sshrl.u32 s1, $0x2  }
0xc0: {  	s3 =	sand.u32 $0x4000, s31;
	s1 =	sadd.s32 s1, s30  }
0xc1: {  	s0 =	sor.u32 s3, s0;
	s1 =	sshll.u32 s1, $0x11  }
0xc2: {  	s0 =	sor.u32 s1, s0  }
0xc3: {  	s0 =	sadd.s32 $0x8F2B, s0  }
0xc4: {  	[sflag:s0] =	ssyncadd.remote.s32 $0x1  }
0xc5: {  	_ =	sfence.sel $0xFFFF  }
0xc6: {  	[dreg:$0x0] =	wrdreg $0xFFFFFFFF;
	(pc) =	sbr.abs _section_cstart, $3  }
0xc7: {  	[dreg:$0x1] =	wrdreg $0xFFFFFFFF  }
0xc8: {  	_ =	task.clear_ibuf [dreg:s8], $0x2FFFF;
	_ =	strace $0x9FFFFFFF  }
0xc9: {  	(tm) =	ssettm $0x7FFFFFFF  }
tec
execute0_lowered:
.L_overlay_start_1:
0x0: {  	(tag) =	ssettag $0x1  }
0x1: {  	s2 =	rddreg [dreg:$0x0]  }
0x2: {  	s4 =	rddreg [dreg:$0x1]  }
0x3: {  	s5 =	rddreg [dreg:$0x2]  }
0x4: {  	s0 =	rddreg [dreg:$0x3];
	s1 =	simm.s32 $0x0;
	s3 =	srdreg.scid  }
0x5: {  	s11 =	simm.s32 $0x2000;
	s12 =	simm.s32 $0x2800;
	s13 =	simm.s32 $0x3000  }
0x6: {  	s14 =	simm.s32 $0x3800;
	s15 =	simm.s32 $0x4000;
	s16 =	simm.s32 $0x4800  }
0x7: {  	s17 =	simm.s32 $0x5000;
	s18 =	simm.s32 $0x5800;
	s19 =	simm.s32 $0x6000  }
0x8: {  	s20 =	simm.s32 $0x6800;
	s21 =	simm.s32 $0x7000;
	s22 =	simm.s32 $0x7800  }
0x9: {  	s23 =	simm.s32 $0x8000;
	s24 =	simm.s32 $0x1;
	s25 =	simm.s32 $0x0  }
0xa: {  	[smem:$0x7FF] =	sst s1;
	s6 =	sand.u32 $0x1, s3;
	s3 =	sadd.s32 $0x600, s2  }
0xb: {  	s2 =	stileid.u32;
	_ =	strace $0x80000047;
	s7 =	ssub.s32 $0x2, s6  }
0xc: {  	s9 =	sshll.u32 s2, $0x9;
	s10 =	sshll.u32 s6, $0x8;
	s30 =	sshll.u32 s2, $0x11  }
0xd: {  	s6 =	sshll.u32 s6, $0x10;
	s8 =	sshrl.u32 s7, $0x1;
	s29 =	sor.u32 s10, s9  }
0xe: {  	v2 =	vlaneseq.u32;
	s31 =	sadd.s32 s30, s5;
	s9 =	simm.s32 $0x1000;
	s10 =	simm.s32 $0x1800  }
0xf: {  	vm0 =	vmmov $0xffff;
	v1 =	vshrl.u32 v2, $0x3;
	s7 =	ssub.s32 s7, s8;
	s4 =	sadd.s32 s4, s29;
	s6 =	sadd.s32 s6, s31  }
0x10: {  	v0 =	vand.u32 $0x7, v2;
	v2 =	vor.u32 $0x8, v2;
	v1 =	vmul.u32 $0x8, v1;
	s8 =	simm.s32 $0x800;
	s5 =	smax.u32 s7, $0x1;
	s7 =	simm.s32 $0x2  }
.LBB2_1:
0x11: {  	[tilespmem:s1], [sflag:$0x2] =	stream.linear.gather [hbm4b:s4+s1], $0x800, $0x38;
	[tilespmem:$0x8800] =	vst v63  }
0x12: {  	_ =	swait.ge [sflag:s7], $0x800  }
0x13: {  	[sflag:s7] =	ssyncset.done $0x0  }
0x14: {  	s26 =	simm.s32 $0x40;
	s28 =	simm.s32 $0x0;
	[sflag:s7] =	ssyncadd.s32 $0xFFFFF800  }
.LBB2_2:
0x15: {  	v3 =	vld [tilespmem:s26+$0xFFFFFFC0];
	_ =	sdelay $0x4  }
0x16: {  	v4 =	vshll.u32 v3, $0x1  }
0x17: {  	v3 =	vand.u32 $0x7, v3;
	v4 =	vand.u32 $0xFFFFFFF0, v4  }
0x18: {  	v3 =	vor.u32 v3, v4  }
0x19: {  	v4 =	vperm.xlane v3, v0;
	_ =	sdelay $0x1  }
0x1a: {  	v3 =	vperm.xlane v3, v2;
	v4 =	vadd.s32 v1, v4;
	_ =	sdelay $0x1  }
0x1b: {  	v3 =	vadd.s32 v1, v3;
	_ =	sdelay $0x2  }
0x1c: {  	[tilespmem:s8], [sflag:$0x1] =	stream.indirect_vreg.gather [hbm4b:s3+s1], $0x80, v4, vm0, $0xb8;
	[tilespmem:$0x8800] =	vst v63  }
0x1d: {  	_ = 	snop  }
0x1e: {  	[tilespmem:s9], [sflag:$0x1] =	stream.indirect_vreg.gather [hbm4b:s3+s1], $0x80, v3, vm0, $0xb8;
	[tilespmem:$0x8800] =	vst v63  }
0x1f: {  	v3 =	vld [tilespmem:s26+$0xFFFFFFD0];
	_ =	sdelay $0x4  }
0x20: {  	v57 =	vshll.u32 v3, $0x1  }
0x21: {  	v3 =	vand.u32 $0x7, v3;
	v4 =	vand.u32 $0xFFFFFFF0, v57  }
0x22: {  	v3 =	vor.u32 v3, v4  }
0x23: {  	v4 =	vperm.xlane v3, v0;
	_ =	sdelay $0x1  }
0x24: {  	v3 =	vperm.xlane v3, v2;
	v4 =	vadd.s32 v1, v4;
	_ =	sdelay $0x1  }
0x25: {  	v3 =	vadd.s32 v1, v3;
	_ =	sdelay $0x2  }
0x26: {  	[tilespmem:s10], [sflag:$0x1] =	stream.indirect_vreg.gather [hbm4b:s3+s1], $0x80, v4, vm0, $0xb8;
	[tilespmem:$0x8800] =	vst v63  }
0x27: {  	_ = 	snop  }
0x28: {  	[tilespmem:s11], [sflag:$0x1] =	stream.indirect_vreg.gather [hbm4b:s3+s1], $0x80, v3, vm0, $0xb8;
	[tilespmem:$0x8800] =	vst v63  }
0x29: {  	v3 =	vld [tilespmem:s26+$0xFFFFFFE0];
	_ =	sdelay $0x4  }
0x2a: {  	v58 =	vshll.u32 v3, $0x1  }
0x2b: {  	v3 =	vand.u32 $0x7, v3;
	v4 =	vand.u32 $0xFFFFFFF0, v58  }
0x2c: {  	v3 =	vor.u32 v3, v4  }
0x2d: {  	v4 =	vperm.xlane v3, v0;
	_ =	sdelay $0x1  }
0x2e: {  	v3 =	vperm.xlane v3, v2;
	v4 =	vadd.s32 v1, v4;
	_ =	sdelay $0x1  }
0x2f: {  	v3 =	vadd.s32 v1, v3;
	_ =	sdelay $0x2  }
0x30: {  	[tilespmem:s12], [sflag:$0x1] =	stream.indirect_vreg.gather [hbm4b:s3+s1], $0x80, v4, vm0, $0xb8;
	[tilespmem:$0x8800] =	vst v63  }
0x31: {  	_ = 	snop  }
0x32: {  	[tilespmem:s13], [sflag:$0x1] =	stream.indirect_vreg.gather [hbm4b:s3+s1], $0x80, v3, vm0, $0xb8;
	[tilespmem:$0x8800] =	vst v63  }
0x33: {  	v3 =	vld [tilespmem:s26+$0xFFFFFFF0];
	_ =	sdelay $0x4  }
0x34: {  	v59 =	vshll.u32 v3, $0x1  }
0x35: {  	v3 =	vand.u32 $0x7, v3;
	v4 =	vand.u32 $0xFFFFFFF0, v59  }
0x36: {  	v3 =	vor.u32 v3, v4  }
0x37: {  	v4 =	vperm.xlane v3, v0;
	_ =	sdelay $0x1  }
0x38: {  	v3 =	vperm.xlane v3, v2;
	v4 =	vadd.s32 v1, v4;
	_ =	sdelay $0x1  }
0x39: {  	v3 =	vadd.s32 v1, v3;
	_ =	sdelay $0x2  }
0x3a: {  	[tilespmem:s14], [sflag:$0x1] =	stream.indirect_vreg.gather [hbm4b:s3+s1], $0x80, v4, vm0, $0xb8;
	[tilespmem:$0x8800] =	vst v63  }
0x3b: {  	_ = 	snop  }
0x3c: {  	[tilespmem:s15], [sflag:$0x1] =	stream.indirect_vreg.gather [hbm4b:s3+s1], $0x80, v3, vm0, $0xb8;
	[tilespmem:$0x8800] =	vst v63  }
0x3d: {  	v3 =	vld [tilespmem:s26+$0x0];
	_ =	sdelay $0x4  }
0x3e: {  	v60 =	vshll.u32 v3, $0x1  }
0x3f: {  	v3 =	vand.u32 $0x7, v3;
	v4 =	vand.u32 $0xFFFFFFF0, v60  }
0x40: {  	v3 =	vor.u32 v3, v4  }
0x41: {  	v4 =	vperm.xlane v3, v0;
	_ =	sdelay $0x1  }
0x42: {  	v3 =	vperm.xlane v3, v2;
	v4 =	vadd.s32 v1, v4;
	_ =	sdelay $0x1  }
0x43: {  	v3 =	vadd.s32 v1, v3;
	_ =	sdelay $0x2  }
0x44: {  	[tilespmem:s16], [sflag:$0x1] =	stream.indirect_vreg.gather [hbm4b:s3+s1], $0x80, v4, vm0, $0xb8;
	[tilespmem:$0x8800] =	vst v63  }
0x45: {  	_ = 	snop  }
0x46: {  	[tilespmem:s17], [sflag:$0x1] =	stream.indirect_vreg.gather [hbm4b:s3+s1], $0x80, v3, vm0, $0xb8;
	[tilespmem:$0x8800] =	vst v63  }
0x47: {  	v3 =	vld [tilespmem:s26+$0x10];
	_ =	sdelay $0x4  }
0x48: {  	v61 =	vshll.u32 v3, $0x1  }
0x49: {  	v3 =	vand.u32 $0x7, v3;
	v4 =	vand.u32 $0xFFFFFFF0, v61  }
0x4a: {  	v3 =	vor.u32 v3, v4  }
0x4b: {  	v4 =	vperm.xlane v3, v0;
	_ =	sdelay $0x1  }
0x4c: {  	v3 =	vperm.xlane v3, v2;
	v4 =	vadd.s32 v1, v4;
	_ =	sdelay $0x1  }
0x4d: {  	v3 =	vadd.s32 v1, v3;
	_ =	sdelay $0x2  }
0x4e: {  	[tilespmem:s18], [sflag:$0x1] =	stream.indirect_vreg.gather [hbm4b:s3+s1], $0x80, v4, vm0, $0xb8;
	[tilespmem:$0x8800] =	vst v63  }
0x4f: {  	_ = 	snop  }
0x50: {  	[tilespmem:s19], [sflag:$0x1] =	stream.indirect_vreg.gather [hbm4b:s3+s1], $0x80, v3, vm0, $0xb8;
	[tilespmem:$0x8800] =	vst v63  }
0x51: {  	v3 =	vld [tilespmem:s26+$0x20];
	_ =	sdelay $0x4  }
0x52: {  	v62 =	vshll.u32 v3, $0x1  }
0x53: {  	v3 =	vand.u32 $0x7, v3;
	v4 =	vand.u32 $0xFFFFFFF0, v62  }
0x54: {  	v3 =	vor.u32 v3, v4  }
0x55: {  	v4 =	vperm.xlane v3, v0;
	_ =	sdelay $0x1  }
0x56: {  	v3 =	vperm.xlane v3, v2;
	v4 =	vadd.s32 v1, v4;
	_ =	sdelay $0x1  }
0x57: {  	v3 =	vadd.s32 v1, v3;
	_ =	sdelay $0x2  }
0x58: {  	[tilespmem:s20], [sflag:$0x1] =	stream.indirect_vreg.gather [hbm4b:s3+s1], $0x80, v4, vm0, $0xb8;
	[tilespmem:$0x8800] =	vst v63  }
0x59: {  	_ = 	snop  }
0x5a: {  	[tilespmem:s21], [sflag:$0x1] =	stream.indirect_vreg.gather [hbm4b:s3+s1], $0x80, v3, vm0, $0xb8;
	[tilespmem:$0x8800] =	vst v63  }
0x5b: {  	v3 =	vld [tilespmem:s26+$0x30];
	_ =	sdelay $0x4  }
0x5c: {  	v63 =	vshll.u32 v3, $0x1  }
0x5d: {  	v3 =	vand.u32 $0x7, v3;
	v4 =	vand.u32 $0xFFFFFFF0, v63  }
0x5e: {  	v3 =	vor.u32 v3, v4  }
0x5f: {  	v4 =	vperm.xlane v3, v0;
	_ =	sdelay $0x1  }
0x60: {  	v3 =	vperm.xlane v3, v2;
	v4 =	vadd.s32 v1, v4;
	_ =	sdelay $0x1  }
0x61: {  	v3 =	vadd.s32 v1, v3;
	_ =	sdelay $0x2  }
0x62: {  	[tilespmem:s22], [sflag:$0x1] =	stream.indirect_vreg.gather [hbm4b:s3+s1], $0x80, v4, vm0, $0xb8;
	[tilespmem:$0x8800] =	vst v63  }
0x63: {  	_ = 	snop  }
0x64: {  	[tilespmem:s23], [sflag:$0x1] =	stream.indirect_vreg.gather [hbm4b:s3+s1], $0x80, v3, vm0, $0xb8;
	[tilespmem:$0x8800] =	vst v63  }
0x65: {  	_ =	swait.ge [sflag:s24], $0x8000  }
0x66: {  	p0 =	sne.s32 s28, $0xF000;
	[sflag:s24] =	ssyncset.done $0x0  }
.Ltmp0:
0x67: {  	s29 =	sadd.s32 s28, s6;
	[sflag:s24] =	ssyncadd.s32 $0xFFFF8000;
	(pc) =	sbr.rel @p0 .LBB2_2-.Ltmp0, $4  }
0x68: {  	[hbm4b:s29+s1] =	stream.linear.scatter [tilespmem:s8], [sflag:$0x2], $0x8000, $0x38;
	[tilespmem:$0x8800] =	vst v63  }
0x69: {  	_ =	swait.ge [sflag:s7], $0x8000  }
0x6a: {  	[sflag:s7] =	ssyncset.done $0x0  }
0x6b: {  	s28 =	sadd.s32 $0x1000, s28;
	s26 =	sadd.s32 $0x80, s26;
	[sflag:s7] =	ssyncadd.s32 $0xFFFF8000  }
0x6c: {  	s25 =	sadd.s32 $0x1, s25  }
0x6d: {  	p0 =	sne.s32 s25, s5  }
.Ltmp1:
0x6e: {  	_ = 	snop;
	(pc) =	sbr.rel @p0 .LBB2_1-.Ltmp1, $1  }
0x6f: {  	_ =	sdelay $0x3  }
0x70: {  	_ =	sfence.sel $0x180000  }
0x71: {  	[bflag:$0x0] =	sbarrier.arrive $0xFFFF  }
0x72: {  	p0 =	sne.s32 s2, $0x0;
	_ =	strace $0x90000047  }
0x73: {  	s0 =	sadd.s32 @!p0 $0x100000, s0;
	[bflag:$0x2] =	sbarrier.arrive $0xFFFF  }
0x74: {  	[sflag:s0] =	ssyncadd.tile.s32 @!p0 $0x1;
	_ =	shalt  }
.Lfunc_end2:
_tile_overlayer_lowered:
.L_overlay_start_2:
0x75: {  	(tag) =	ssettag $0x2  }
0x76: {  	s0 =	rddreg [dreg:$0x0];
	s2 =	stileid.u32  }
0x77: {  	s1 =	rddreg [dreg:$0x1];
	p0 =	sne.s32 s2, $0x0  }
0x78: {  	s3 =	rddreg [dreg:$0x2];
	[bflag:$0x3] =	sbarrier.arrive $0xFFFF;
	s2 =	simm.s32 @!p0 $0x1C02  }
0x79: {  	[timem:s3], [sflag:s2] =	dma.local @!p0 [hbm:s0], s1  }
0x7a: {  	s0 =	simm.s32 @!p0 $0x2  }
0x7b: {  	_ =	swait.ge @!p0 [sflag:s0], s1  }
0x7c: {  	s1 =	ssub.s32 @!p0 $0x0, s1;
	[sflag:s0] =	ssyncset.done @!p0 $0x0  }
0x7d: {  	[sflag:s0] =	ssyncadd.s32 @!p0 s1  }
0x7e: {  	[bflag:$0x3] =	sbarrier.arrive $0xFFFF  }
0x7f: {  	_ =	shalt  }

</sc_bundles>
